<compile_context>
chip_gen: v7x
topology: tpu7x:2x2x1
jax: 0.10.2.dev20260603
libtpu: 0.0.44.dev20260713+nightly
codegen_flags: <defaults>
</compile_context>

<pallas_src>
import functools

import jax
import jax.numpy as jnp
from jax import lax
from jax.experimental import pallas as pl
from jax.experimental.pallas import tpu as pltpu
from jax.experimental.pallas import tpu_sc as plsc

VOCAB = 1000000
EMBED = 64
HIDDEN = 64
B = 4096
T = 50
G3 = 3 * HIDDEN
PW = 128

NC = 2
NS = 16
NW = NC * NS
CH = 400

RB = 16384


def _format_body(et_ref, out_ref):
    out_ref[:, 0:EMBED] = et_ref[...].T
    out_ref[:, EMBED:PW] = jnp.zeros((RB, PW - EMBED), jnp.float32)


def _format_table(embT):
    n_steps = (VOCAB + RB - 1) // RB
    return pl.pallas_call(
        _format_body,
        grid=(n_steps,),
        in_specs=[pl.BlockSpec((EMBED, RB), lambda i: (0, i))],
        out_specs=pl.BlockSpec((RB, PW), lambda i: (i, 0)),
        out_shape=jax.ShapeDtypeStruct((VOCAB, PW), jnp.float32),
    )(embT)


def _gather_sc(table, idx_flat):
    TB = idx_flat.shape[0]
    b_per_w = TB // NW
    n_ch = b_per_w // CH
    mesh = plsc.VectorSubcoreMesh(core_axis_name="c", subcore_axis_name="s")

    @functools.partial(
        pl.kernel,
        out_type=jax.ShapeDtypeStruct((TB, PW), jnp.float32),
        mesh=mesh,
        scratch_types=[
            pltpu.VMEM((CH,), jnp.int32),
            pltpu.VMEM((CH, PW), jnp.float32),
            pltpu.SemaphoreType.DMA,
        ],
    )
    def gather_kernel(table_hbm, i_hbm, o_hbm, idx_v, rows_v, sem):
        wid = lax.axis_index("s") * NC + lax.axis_index("c")

        @pl.loop(0, n_ch)
        def _(c):
            base = wid * b_per_w + c * CH
            pltpu.sync_copy(i_hbm.at[pl.ds(base, CH)], idx_v)
            pltpu.async_copy(table_hbm.at[idx_v], rows_v, sem).wait()
            pltpu.sync_copy(rows_v, o_hbm.at[pl.ds(base, CH)])

    return gather_kernel(table, idx_flat)


def _gru_body(xs_hbm, wih_ref, whh_ref, bih_ref, bhh_ref, fcw_ref, fcb_ref,
              out_ref, x0, x1, h_ref, sem0, sem1):
    pltpu.make_async_copy(xs_hbm.at[0], x0, sem0).start()
    pltpu.make_async_copy(xs_hbm.at[1], x1, sem1).start()
    h_ref[...] = jnp.zeros((B, HIDDEN), jnp.float32)
    wih = wih_ref[...]
    whh = whh_ref[...]
    bih = bih_ref[...]
    bhh = bhh_ref[...]

    def gru_step(xt, h):
        gi = jnp.dot(xt, wih, preferred_element_type=jnp.float32) + bih
        gh = jnp.dot(h, whh, preferred_element_type=jnp.float32) + bhh
        r = jax.nn.sigmoid(gi[:, 0:HIDDEN] + gh[:, 0:HIDDEN])
        z = jax.nn.sigmoid(gi[:, HIDDEN:2 * HIDDEN] + gh[:, HIDDEN:2 * HIDDEN])
        n = jnp.tanh(gi[:, 2 * HIDDEN:] + r * gh[:, 2 * HIDDEN:])
        return (1.0 - z) * n + z * h

    def pair(i, carry):
        t0 = 2 * i
        pltpu.make_async_copy(xs_hbm.at[t0], x0, sem0).wait()
        h_ref[...] = gru_step(x0[...], h_ref[...])

        @pl.when(i < (T // 2) - 1)
        def _():
            pltpu.make_async_copy(xs_hbm.at[t0 + 2], x0, sem0).start()

        pltpu.make_async_copy(xs_hbm.at[t0 + 1], x1, sem1).wait()
        h_ref[...] = gru_step(x1[...], h_ref[...])

        @pl.when(i < (T // 2) - 1)
        def _():
            pltpu.make_async_copy(xs_hbm.at[t0 + 3], x1, sem1).start()

        return carry

    lax.fori_loop(0, T // 2, pair, 0)
    out_ref[...] = (
        jnp.dot(h_ref[...], fcw_ref[...], preferred_element_type=jnp.float32)
        + fcb_ref[...]
    )


def _gru_tc(xs, wihT, whhT, bih, bhh, fcwT, fcb):
    return pl.pallas_call(
        _gru_body,
        in_specs=[
            pl.BlockSpec(memory_space=pl.ANY),
            pl.BlockSpec(memory_space=pltpu.MemorySpace.VMEM),
            pl.BlockSpec(memory_space=pltpu.MemorySpace.VMEM),
            pl.BlockSpec(memory_space=pltpu.MemorySpace.VMEM),
            pl.BlockSpec(memory_space=pltpu.MemorySpace.VMEM),
            pl.BlockSpec(memory_space=pltpu.MemorySpace.VMEM),
            pl.BlockSpec(memory_space=pltpu.MemorySpace.VMEM),
        ],
        out_specs=pl.BlockSpec(memory_space=pltpu.MemorySpace.VMEM),
        out_shape=jax.ShapeDtypeStruct((B, HIDDEN), jnp.float32),
        scratch_shapes=[
            pltpu.VMEM((B, PW), jnp.float32),
            pltpu.VMEM((B, PW), jnp.float32),
            pltpu.VMEM((B, HIDDEN), jnp.float32),
            pltpu.SemaphoreType.DMA,
            pltpu.SemaphoreType.DMA,
        ],
    )(xs, wihT, whhT, bih, bhh, fcwT, fcb)


def kernel(x, emb, w_ih, w_hh, b_ih, b_hh, fc_w, fc_b):
    table = _format_table(emb.T)
    idx = x.astype(jnp.int32).T.reshape(-1)
    rows = _gather_sc(table, idx)
    xs = rows.reshape(T, B, PW)
    wih_pad = jnp.concatenate(
        [w_ih.T, jnp.zeros((PW - EMBED, G3), w_ih.dtype)], axis=0)
    return _gru_tc(
        xs,
        wih_pad,
        w_hh.T,
        b_ih.reshape(1, G3),
        b_hh.reshape(1, G3),
        fc_w.T,
        fc_b.reshape(1, HIDDEN),
    )

# --- scband reference (transcript-rebuilt; emitter-appended) ---
"""Pipeline reference for scband-text-embedding-model-46119358825101 (READ-ONLY COPY).

The authoritative reference and input builder live on the scoring server;
editing this copy changes nothing except your own understanding.
"""

import jax, jax.numpy as jnp
import numpy as np

VOCAB = 1000000
EMBED = 64
HIDDEN = 64
B = 4096
T = 50

def setup_inputs(seed: int = 0) -> dict:
    key = jax.random.key(seed)
    ks = jax.random.split(key, 8)
    x = jax.random.randint(ks[0], (B, T), 0, VOCAB, dtype=jnp.int64 if jax.config.jax_enable_x64 else jnp.int32)
    emb = jax.random.normal(ks[1], (VOCAB, EMBED), dtype=jnp.float32) * 0.02
    w_ih = jax.random.normal(ks[2], (3 * HIDDEN, EMBED), dtype=jnp.float32) * 0.05
    w_hh = jax.random.normal(ks[3], (3 * HIDDEN, HIDDEN), dtype=jnp.float32) * 0.05
    b_ih = jax.random.normal(ks[4], (3 * HIDDEN,), dtype=jnp.float32) * 0.01
    b_hh = jax.random.normal(ks[5], (3 * HIDDEN,), dtype=jnp.float32) * 0.01
    fc_w = jax.random.normal(ks[6], (HIDDEN, HIDDEN), dtype=jnp.float32) * 0.05
    fc_b = jax.random.normal(ks[7], (HIDDEN,), dtype=jnp.float32) * 0.01
    return {"x": x, "emb": emb, "w_ih": w_ih, "w_hh": w_hh, "b_ih": b_ih, "b_hh": b_hh, "fc_w": fc_w, "fc_b": fc_b}

def reference(x, emb, w_ih, w_hh, b_ih, b_hh, fc_w, fc_b):
    embedded = jnp.take(emb, x, axis=0)  # [B, T, E]
    h0 = jnp.zeros((embedded.shape[0], HIDDEN), dtype=embedded.dtype)
    xs = jnp.swapaxes(embedded, 0, 1)  # [T, B, E]

    def step(h, xt):
        gi = xt @ w_ih.T + b_ih
        gh = h @ w_hh.T + b_hh
        i_r, i_z, i_n = jnp.split(gi, 3, axis=-1)
        h_r, h_z, h_n = jnp.split(gh, 3, axis=-1)
        r = jax.nn.sigmoid(i_r + h_r)
        z = jax.nn.sigmoid(i_z + h_z)
        n = jnp.tanh(i_n + r * h_n)
        h_new = (1.0 - z) * n + z * h
        return h_new, None

    h_final, _ = jax.lax.scan(step, h0, xs)
    # hidden.squeeze(0) in torch == final hidden state [B, H]
    out = h_final @ fc_w.T + fc_b
    return out

if __name__ == "__main__":
    import jax
    _d = setup_inputs()
    print(jax.jit(kernel)(*tuple(_d.values())))

</pallas_src>

<mosaic_0001>
#map = affine_map<(d0, d1) -> (0, 0)>
#map1 = affine_map<(d0, d1) -> (0)>
module attributes {stable_mosaic.version = 14 : i64} {
  func.func @gather_kernel(%arg0: i32, %arg1: i32, %arg2: memref<1000000x128xf32, #tpu.memory_space<hbm>>, %arg3: memref<204800xi32, #tpu.memory_space<hbm>>, %arg4: memref<204800x128xf32, #tpu.memory_space<hbm>>, %arg5: memref<400xi32, #tpu.memory_space<vmem>>, %arg6: memref<400x128xf32, #tpu.memory_space<vmem>>, %arg7: memref<!tpu.dma_semaphore, #tpu.memory_space<semaphore_mem>>) attributes {dimension_semantics = [#tpu.dimension_semantics<core_parallel>, #tpu.dimension_semantics<subcore_parallel>], iteration_bounds = array<i64: 2, 16>, scalar_prefetch = 0 : i64, scratch_operands = 3 : i64, tpu.core_type = #tpu.core_type<sc_vector_subcore>, window_params = [{transform_indices = #map}, {transform_indices = #map1}, {transform_indices = #map}]} {
    %mul3A = arith.constant 2 : i32
    %mul3A_0 = arith.muli %arg1, %mul3A : i32
    %add3A = arith.addi %mul3A_0, %arg0 : i32
    %scan3A = arith.constant 0 : i32
    %scan3A_1 = arith.constant 16 : i32
    %scan3A_2 = arith.addi %scan3A, %scan3A_1 : i32
    %scan3A_3 = arith.constant 1 : i32
    scf.for %scan3A_5 = %scan3A to %scan3A_2 step %scan3A_3  : i32 {
      %mul3A_6 = arith.constant 1 : i32
      %mul3A_7 = arith.muli %scan3A_5, %mul3A_6 : i32
      %add3A_8 = arith.constant 0 : i32
      %add3A_9 = arith.addi %add3A_8, %mul3A_7 : i32
      %mul3A_10 = arith.constant 6400 : i32
      %mul3A_11 = arith.muli %add3A, %mul3A_10 : i32
      %mul3A_12 = arith.constant 400 : i32
      %mul3A_13 = arith.muli %add3A_9, %mul3A_12 : i32
      %add3A_14 = arith.addi %mul3A_11, %mul3A_13 : i32
      "tpu.region"() ({
        %run_scoped3A = tpu.sem_alloc : memref<!tpu.dma_semaphore, #tpu.memory_space<semaphore_mem>>
        %dma_start3A_19 = tpu.memref_slice %arg3[%add3A_14] : memref<204800xi32, #tpu.memory_space<hbm>> -> memref<400xi32, #tpu.memory_space<hbm>>
        %dma_start3A_20 = tpu.memref_slice %arg3[%add3A_14] : memref<204800xi32, #tpu.memory_space<hbm>> -> memref<400xi32, #tpu.memory_space<hbm>>
        tpu.enqueue_dma source(%dma_start3A_20 : memref<400xi32, #tpu.memory_space<hbm>>) target(%arg5 : memref<400xi32, #tpu.memory_space<vmem>>) target_semaphore(%run_scoped3A : memref<!tpu.dma_semaphore, #tpu.memory_space<semaphore_mem>>)
        %dma_wait3A_21 = tpu.memref_slice %arg3[%add3A_14] : memref<204800xi32, #tpu.memory_space<hbm>> -> memref<400xi32, #tpu.memory_space<hbm>>
        %dma_wait3A_22 = tpu.memref_slice %arg3[%add3A_14] : memref<204800xi32, #tpu.memory_space<hbm>> -> memref<400xi32, #tpu.memory_space<hbm>>
        tpu.wait_dma2 semaphore(%run_scoped3A : memref<!tpu.dma_semaphore, #tpu.memory_space<semaphore_mem>>) src(%dma_wait3A_22 : memref<400xi32, #tpu.memory_space<hbm>>) dst(%arg5 : memref<400xi32, #tpu.memory_space<vmem>>)
        tpu.yield
      }) : () -> ()
      %dma_start3A = arith.constant 0 : i32
      %dma_start3A_15 = arith.constant 0 : i32
      %dma_start3A_16 = tpu.memref_slice %arg2[%dma_start3A, %dma_start3A_15] : memref<1000000x128xf32, #tpu.memory_space<hbm>> -> memref<1000000x128xf32, #tpu.memory_space<hbm>>
      tpu.enqueue_indirect_dma source(%dma_start3A_16 : memref<1000000x128xf32, #tpu.memory_space<hbm>>) target(%arg6 : memref<400x128xf32, #tpu.memory_space<vmem>>) offsets(%arg5 : memref<400xi32, #tpu.memory_space<vmem>>) semaphore(%arg7 : memref<!tpu.dma_semaphore, #tpu.memory_space<semaphore_mem>>)
      %dma_wait3A = arith.constant 0 : i32
      %dma_wait3A_17 = arith.constant 0 : i32
      %dma_wait3A_18 = tpu.memref_slice %arg2[%dma_wait3A, %dma_wait3A_17] : memref<1000000x128xf32, #tpu.memory_space<hbm>> -> memref<1000000x128xf32, #tpu.memory_space<hbm>>
      tpu.wait_indirect_dma semaphore(%arg7 : memref<!tpu.dma_semaphore, #tpu.memory_space<semaphore_mem>>) src(%dma_wait3A_18 : memref<1000000x128xf32, #tpu.memory_space<hbm>>) dst(%arg6 : memref<400x128xf32, #tpu.memory_space<vmem>>)
      "tpu.region"() ({
        %run_scoped3A = tpu.sem_alloc : memref<!tpu.dma_semaphore, #tpu.memory_space<semaphore_mem>>
        %dma_start3A_19 = arith.constant 0 : i32
        %dma_start3A_20 = tpu.memref_slice %arg4[%add3A_14, %dma_start3A_19] : memref<204800x128xf32, #tpu.memory_space<hbm>> -> memref<400x128xf32, #tpu.memory_space<hbm>>
        %dma_start3A_21 = arith.constant 0 : i32
        %dma_start3A_22 = tpu.memref_slice %arg4[%add3A_14, %dma_start3A_21] : memref<204800x128xf32, #tpu.memory_space<hbm>> -> memref<400x128xf32, #tpu.memory_space<hbm>>
        tpu.enqueue_dma source(%arg6 : memref<400x128xf32, #tpu.memory_space<vmem>>) target(%dma_start3A_22 : memref<400x128xf32, #tpu.memory_space<hbm>>) target_semaphore(%run_scoped3A : memref<!tpu.dma_semaphore, #tpu.memory_space<semaphore_mem>>)
        %dma_wait3A_23 = arith.constant 0 : i32
        %dma_wait3A_24 = tpu.memref_slice %arg4[%add3A_14, %dma_wait3A_23] : memref<204800x128xf32, #tpu.memory_space<hbm>> -> memref<400x128xf32, #tpu.memory_space<hbm>>
        %dma_wait3A_25 = arith.constant 0 : i32
        %dma_wait3A_26 = tpu.memref_slice %arg4[%add3A_14, %dma_wait3A_25] : memref<204800x128xf32, #tpu.memory_space<hbm>> -> memref<400x128xf32, #tpu.memory_space<hbm>>
        tpu.wait_dma2 semaphore(%run_scoped3A : memref<!tpu.dma_semaphore, #tpu.memory_space<semaphore_mem>>) src(%arg6 : memref<400x128xf32, #tpu.memory_space<vmem>>) dst(%dma_wait3A_26 : memref<400x128xf32, #tpu.memory_space<hbm>>)
        tpu.yield
      }) : () -> ()
    }
    %scan3A_4 = arith.constant 16 : i32
    return
  }
}

module attributes {stable_mosaic.version = 14 : i64} {
  func.func @_format_body(%arg0: i32, %arg1: memref<64x16384xf32, #tpu.memory_space<vmem>>, %arg2: memref<16384x128xf32, #tpu.memory_space<vmem>>) attributes {dimension_semantics = [#tpu.dimension_semantics<arbitrary>], iteration_bounds = array<i64: 62>, scalar_prefetch = 0 : i64, scratch_operands = 0 : i64, tpu.core_type = #tpu.core_type<tc>, window_params = [{transform_indices = @transform_0, window_bounds = array<i64: 64, 16384>}, {transform_indices = @transform_1, window_bounds = array<i64: 16384, 128>}]} {
    %get3A = arith.constant 0 : index
    %get3A_0 = arith.constant 0 : index
    %get3A_1 = vector.load %arg1[%get3A, %get3A_0] : memref<64x16384xf32, #tpu.memory_space<vmem>>, vector<64x16384xf32>
    %transpose3A = tpu.transpose %get3A_1, [1, 0] : vector<64x16384xf32> -> vector<16384x64xf32>
    %swap3A = arith.constant 0 : index
    %swap3A_2 = arith.constant 0 : index
    %swap3A_3 = vector.load %arg2[%swap3A, %swap3A_2] : memref<16384x128xf32, #tpu.memory_space<vmem>>, vector<16384x64xf32>
    tpu.vector_store %arg2[%swap3A, %swap3A_2], %transpose3A {strides = array<i32>} : memref<16384x128xf32, #tpu.memory_space<vmem>>, vector<16384x64xf32>,
    %broadcast_in_dim3A = arith.constant 0.000000e+00 : f32
    %broadcast_in_dim3A_4 = vector.broadcast %broadcast_in_dim3A : f32 to vector<16384x64xf32>
    %swap3A_5 = arith.constant 0 : index
    %swap3A_6 = arith.constant 64 : index
    %swap3A_7 = vector.load %arg2[%swap3A_5, %swap3A_6] : memref<16384x128xf32, #tpu.memory_space<vmem>>, vector<16384x64xf32>
    tpu.vector_store %arg2[%swap3A_5, %swap3A_6], %broadcast_in_dim3A_4 {strides = array<i32>} : memref<16384x128xf32, #tpu.memory_space<vmem>>, vector<16384x64xf32>,
    return
  }
  func.func @transform_0(%arg0: i32) -> (i32, i32) {
    %c0_i32 = arith.constant 0 : i32
    %c0_i32_0 = arith.constant 0 : i32
    return %c0_i32, %arg0 : i32, i32
  }
  func.func @transform_1(%arg0: i32) -> (i32, i32) {
    %c0_i32 = arith.constant 0 : i32
    %c0_i32_0 = arith.constant 0 : i32
    return %arg0, %c0_i32 : i32, i32
  }
}

module attributes {stable_mosaic.version = 14 : i64} {
  func.func @_gru_body(%arg0: memref<50x4096x128xf32, #tpu.memory_space<any>>, %arg1: memref<128x192xf32, #tpu.memory_space<vmem>>, %arg2: memref<64x192xf32, #tpu.memory_space<vmem>>, %arg3: memref<1x192xf32, #tpu.memory_space<vmem>>, %arg4: memref<1x192xf32, #tpu.memory_space<vmem>>, %arg5: memref<64x64xf32, #tpu.memory_space<vmem>>, %arg6: memref<1x64xf32, #tpu.memory_space<vmem>>, %arg7: memref<4096x64xf32, #tpu.memory_space<vmem>>, %arg8: memref<4096x128xf32, #tpu.memory_space<vmem>>, %arg9: memref<4096x128xf32, #tpu.memory_space<vmem>>, %arg10: memref<4096x64xf32, #tpu.memory_space<vmem>>, %arg11: memref<!tpu.dma_semaphore, #tpu.memory_space<semaphore_mem>>, %arg12: memref<!tpu.dma_semaphore, #tpu.memory_space<semaphore_mem>>) attributes {dimension_semantics = [], scalar_prefetch = 0 : i64, scratch_operands = 5 : i64, tpu.core_type = #tpu.core_type<tc>} {
    %dma_start3A = arith.constant 0 : i32
    %dma_start3A_0 = arith.constant 0 : i32
    %dma_start3A_1 = arith.constant 0 : i32
    %dma_start3A_2 = tpu.memref_slice %arg0[%dma_start3A, %dma_start3A_0, %dma_start3A_1] : memref<50x4096x128xf32, #tpu.memory_space<any>> -> memref<1x4096x128xf32, #tpu.memory_space<any>>
    %dma_start3A_3 = tpu.memref_squeeze %dma_start3A_2 : memref<1x4096x128xf32, #tpu.memory_space<any>> -> memref<4096x128xf32, #tpu.memory_space<any>>
    tpu.enqueue_dma source(%dma_start3A_3 : memref<4096x128xf32, #tpu.memory_space<any>>) target(%arg8 : memref<4096x128xf32, #tpu.memory_space<vmem>>) target_semaphore(%arg11 : memref<!tpu.dma_semaphore, #tpu.memory_space<semaphore_mem>>)
    %dma_start3A_4 = arith.constant 1 : i32
    %dma_start3A_5 = arith.constant 0 : i32
    %dma_start3A_6 = arith.constant 0 : i32
    %dma_start3A_7 = tpu.memref_slice %arg0[%dma_start3A_4, %dma_start3A_5, %dma_start3A_6] : memref<50x4096x128xf32, #tpu.memory_space<any>> -> memref<1x4096x128xf32, #tpu.memory_space<any>>
    %dma_start3A_8 = tpu.memref_squeeze %dma_start3A_7 : memref<1x4096x128xf32, #tpu.memory_space<any>> -> memref<4096x128xf32, #tpu.memory_space<any>>
    tpu.enqueue_dma source(%dma_start3A_8 : memref<4096x128xf32, #tpu.memory_space<any>>) target(%arg9 : memref<4096x128xf32, #tpu.memory_space<vmem>>) target_semaphore(%arg12 : memref<!tpu.dma_semaphore, #tpu.memory_space<semaphore_mem>>)
    %broadcast_in_dim3A = arith.constant 0.000000e+00 : f32
    %broadcast_in_dim3A_9 = vector.broadcast %broadcast_in_dim3A : f32 to vector<4096x64xf32>
    %swap3A = arith.constant 0 : index
    %swap3A_10 = arith.constant 0 : index
    %swap3A_11 = vector.load %arg10[%swap3A, %swap3A_10] : memref<4096x64xf32, #tpu.memory_space<vmem>>, vector<4096x64xf32>
    tpu.vector_store %arg10[%swap3A, %swap3A_10], %broadcast_in_dim3A_9 {strides = array<i32>} : memref<4096x64xf32, #tpu.memory_space<vmem>>, vector<4096x64xf32>,
    %get3A = arith.constant 0 : index
    %get3A_12 = arith.constant 0 : index
    %get3A_13 = vector.load %arg1[%get3A, %get3A_12] : memref<128x192xf32, #tpu.memory_space<vmem>>, vector<128x192xf32>
    %get3A_14 = arith.constant 0 : index
    %get3A_15 = arith.constant 0 : index
    %get3A_16 = vector.load %arg2[%get3A_14, %get3A_15] : memref<64x192xf32, #tpu.memory_space<vmem>>, vector<64x192xf32>
    %get3A_17 = arith.constant 0 : index
    %get3A_18 = arith.constant 0 : index
    %get3A_19 = vector.load %arg3[%get3A_17, %get3A_18] : memref<1x192xf32, #tpu.memory_space<vmem>>, vector<1x192xf32>
    %get3A_20 = arith.constant 0 : index
    %get3A_21 = arith.constant 0 : index
    %get3A_22 = vector.load %arg4[%get3A_20, %get3A_21] : memref<1x192xf32, #tpu.memory_space<vmem>>, vector<1x192xf32>
    %scan3A = arith.constant 0 : i32
    %scan3A_23 = arith.constant 25 : i32
    %scan3A_24 = arith.addi %scan3A, %scan3A_23 : i32
    %scan3A_25 = arith.constant 1 : i32
    scf.for %scan3A_41 = %scan3A to %scan3A_24 step %scan3A_25  : i32 {
      %mul3A = arith.constant 2 : i32
      %mul3A_42 = arith.muli %mul3A, %scan3A_41 : i32
      %dma_wait3A = arith.constant 0 : i32
      %dma_wait3A_43 = arith.constant 0 : i32
      %dma_wait3A_44 = tpu.memref_slice %arg0[%mul3A_42, %dma_wait3A, %dma_wait3A_43] : memref<50x4096x128xf32, #tpu.memory_space<any>> -> memref<1x4096x128xf32, #tpu.memory_space<any>>
      %dma_wait3A_45 = tpu.memref_squeeze %dma_wait3A_44 : memref<1x4096x128xf32, #tpu.memory_space<any>> -> memref<4096x128xf32, #tpu.memory_space<any>>
      tpu.wait_dma2 semaphore(%arg11 : memref<!tpu.dma_semaphore, #tpu.memory_space<semaphore_mem>>) src(%dma_wait3A_45 : memref<4096x128xf32, #tpu.memory_space<any>>) dst(%arg8 : memref<4096x128xf32, #tpu.memory_space<vmem>>)
      %get3A_46 = arith.constant 0 : index
      %get3A_47 = arith.constant 0 : index
      %get3A_48 = vector.load %arg8[%get3A_46, %get3A_47] : memref<4096x128xf32, #tpu.memory_space<vmem>>, vector<4096x128xf32>
      %get3A_49 = arith.constant 0 : index
      %get3A_50 = arith.constant 0 : index
      %get3A_51 = vector.load %arg10[%get3A_49, %get3A_50] : memref<4096x64xf32, #tpu.memory_space<vmem>>, vector<4096x64xf32>
      %dot_general3A_52 = arith.constant dense<0.000000e+00> : vector<4096x192xf32>
      %dot_general3A_53 = tpu.matmul %get3A_48, %get3A_13, %dot_general3A_52 {dimension_numbers = #tpu.dot_dimension_numbers<[1], [0], [0], [1], [0, 0, 1, 1], [], []>, transpose_lhs_hint = false} : vector<4096x128xf32>, vector<128x192xf32>, vector<4096x192xf32> -> vector<4096x192xf32>
      %add3A_54 = vector.broadcast %get3A_19 : vector<1x192xf32> to vector<4096x192xf32>
      %add3A_55 = arith.addf %dot_general3A_53, %add3A_54 : vector<4096x192xf32>
      %dot_general3A_56 = arith.constant dense<0.000000e+00> : vector<4096x192xf32>
      %dot_general3A_57 = tpu.matmul %get3A_51, %get3A_16, %dot_general3A_56 {dimension_numbers = #tpu.dot_dimension_numbers<[1], [0], [0], [1], [0, 0, 1, 1], [], []>, transpose_lhs_hint = false} : vector<4096x64xf32>, vector<64x192xf32>, vector<4096x192xf32> -> vector<4096x192xf32>
      %add3A_58 = vector.broadcast %get3A_22 : vector<1x192xf32> to vector<4096x192xf32>
      %add3A_59 = arith.addf %dot_general3A_57, %add3A_58 : vector<4096x192xf32>
      %slice3A = vector.extract_strided_slice %add3A_55 {offsets = [0, 0], sizes = [4096, 64], strides = [1, 1]} : vector<4096x192xf32> to vector<4096x64xf32>
      %slice3A_60 = vector.extract_strided_slice %add3A_59 {offsets = [0, 0], sizes = [4096, 64], strides = [1, 1]} : vector<4096x192xf32> to vector<4096x64xf32>
      %add3A_61 = arith.addf %slice3A, %slice3A_60 : vector<4096x64xf32>
      %logistic3A = arith.negf %add3A_61 : vector<4096x64xf32>
      %logistic3A_62 = math.exp %logistic3A : vector<4096x64xf32>
      %logistic3A_63 = arith.constant 1.000000e+00 : f32
      %logistic3A_64 = vector.broadcast %logistic3A_63 : f32 to vector<4096x64xf32>
      %logistic3A_65 = arith.addf %logistic3A_64, %logistic3A_62 : vector<4096x64xf32>
      %logistic3A_66 = arith.divf %logistic3A_64, %logistic3A_65 : vector<4096x64xf32>
      %slice3A_67 = vector.extract_strided_slice %add3A_55 {offsets = [0, 64], sizes = [4096, 64], strides = [1, 1]} : vector<4096x192xf32> to vector<4096x64xf32>
      %slice3A_68 = vector.extract_strided_slice %add3A_59 {offsets = [0, 64], sizes = [4096, 64], strides = [1, 1]} : vector<4096x192xf32> to vector<4096x64xf32>
      %add3A_69 = arith.addf %slice3A_67, %slice3A_68 : vector<4096x64xf32>
      %logistic3A_70 = arith.negf %add3A_69 : vector<4096x64xf32>
      %logistic3A_71 = math.exp %logistic3A_70 : vector<4096x64xf32>
      %logistic3A_72 = arith.constant 1.000000e+00 : f32
      %logistic3A_73 = vector.broadcast %logistic3A_72 : f32 to vector<4096x64xf32>
      %logistic3A_74 = arith.addf %logistic3A_73, %logistic3A_71 : vector<4096x64xf32>
      %logistic3A_75 = arith.divf %logistic3A_73, %logistic3A_74 : vector<4096x64xf32>
      %slice3A_76 = vector.extract_strided_slice %add3A_55 {offsets = [0, 128], sizes = [4096, 64], strides = [1, 1]} : vector<4096x192xf32> to vector<4096x64xf32>
      %slice3A_77 = vector.extract_strided_slice %add3A_59 {offsets = [0, 128], sizes = [4096, 64], strides = [1, 1]} : vector<4096x192xf32> to vector<4096x64xf32>
      %mul3A_78 = arith.mulf %logistic3A_66, %slice3A_77 : vector<4096x64xf32>
      %add3A_79 = arith.addf %slice3A_76, %mul3A_78 : vector<4096x64xf32>
      %tanh3A = math.tanh %add3A_79 : vector<4096x64xf32>
      %sub3A = arith.constant 1.000000e+00 : f32
      %sub3A_80 = vector.broadcast %sub3A : f32 to vector<4096x64xf32>
      %sub3A_81 = arith.subf %sub3A_80, %logistic3A_75 : vector<4096x64xf32>
      %mul3A_82 = arith.mulf %sub3A_81, %tanh3A : vector<4096x64xf32>
      %mul3A_83 = arith.mulf %logistic3A_75, %get3A_51 : vector<4096x64xf32>
      %add3A_84 = arith.addf %mul3A_82, %mul3A_83 : vector<4096x64xf32>
      %swap3A_85 = arith.constant 0 : index
      %swap3A_86 = arith.constant 0 : index
      %swap3A_87 = vector.load %arg10[%swap3A_85, %swap3A_86] : memref<4096x64xf32, #tpu.memory_space<vmem>>, vector<4096x64xf32>
      tpu.vector_store %arg10[%swap3A_85, %swap3A_86], %add3A_84 {strides = array<i32>} : memref<4096x64xf32, #tpu.memory_space<vmem>>, vector<4096x64xf32>,
      %lt3A = arith.constant 24 : i32
      %lt3A_88 = arith.cmpi slt, %scan3A_41, %lt3A : i32
      %convert_element_type3A = arith.extui %lt3A_88 : i1 to i32
      %cond3A = arith.constant 0 : i32
      %cond3A_89 = arith.cmpi ne, %convert_element_type3A, %cond3A : i32
      scf.if %cond3A_89 {
        %add3A_147 = arith.constant 2 : i32
        %add3A_148 = arith.addi %mul3A_42, %add3A_147 : i32
        %dma_start3A_149 = arith.constant 0 : i32
        %dma_start3A_150 = arith.constant 0 : i32
        %dma_start3A_151 = tpu.memref_slice %arg0[%add3A_148, %dma_start3A_149, %dma_start3A_150] : memref<50x4096x128xf32, #tpu.memory_space<any>> -> memref<1x4096x128xf32, #tpu.memory_space<any>>
        %dma_start3A_152 = tpu.memref_squeeze %dma_start3A_151 : memref<1x4096x128xf32, #tpu.memory_space<any>> -> memref<4096x128xf32, #tpu.memory_space<any>>
        tpu.enqueue_dma source(%dma_start3A_152 : memref<4096x128xf32, #tpu.memory_space<any>>) target(%arg8 : memref<4096x128xf32, #tpu.memory_space<vmem>>) target_semaphore(%arg11 : memref<!tpu.dma_semaphore, #tpu.memory_space<semaphore_mem>>)
      } else {
      }
      %add3A_90 = arith.constant 1 : i32
      %add3A_91 = arith.addi %mul3A_42, %add3A_90 : i32
      %dma_wait3A_92 = arith.constant 0 : i32
      %dma_wait3A_93 = arith.constant 0 : i32
      %dma_wait3A_94 = tpu.memref_slice %arg0[%add3A_91, %dma_wait3A_92, %dma_wait3A_93] : memref<50x4096x128xf32, #tpu.memory_space<any>> -> memref<1x4096x128xf32, #tpu.memory_space<any>>
      %dma_wait3A_95 = tpu.memref_squeeze %dma_wait3A_94 : memref<1x4096x128xf32, #tpu.memory_space<any>> -> memref<4096x128xf32, #tpu.memory_space<any>>
      tpu.wait_dma2 semaphore(%arg12 : memref<!tpu.dma_semaphore, #tpu.memory_space<semaphore_mem>>) src(%dma_wait3A_95 : memref<4096x128xf32, #tpu.memory_space<any>>) dst(%arg9 : memref<4096x128xf32, #tpu.memory_space<vmem>>)
      %get3A_96 = arith.constant 0 : index
      %get3A_97 = arith.constant 0 : index
      %get3A_98 = vector.load %arg9[%get3A_96, %get3A_97] : memref<4096x128xf32, #tpu.memory_space<vmem>>, vector<4096x128xf32>
      %get3A_99 = arith.constant 0 : index
      %get3A_100 = arith.constant 0 : index
      %get3A_101 = vector.load %arg10[%get3A_99, %get3A_100] : memref<4096x64xf32, #tpu.memory_space<vmem>>, vector<4096x64xf32>
      %dot_general3A_102 = arith.constant dense<0.000000e+00> : vector<4096x192xf32>
      %dot_general3A_103 = tpu.matmul %get3A_98, %get3A_13, %dot_general3A_102 {dimension_numbers = #tpu.dot_dimension_numbers<[1], [0], [0], [1], [0, 0, 1, 1], [], []>, transpose_lhs_hint = false} : vector<4096x128xf32>, vector<128x192xf32>, vector<4096x192xf32> -> vector<4096x192xf32>
      %add3A_104 = vector.broadcast %get3A_19 : vector<1x192xf32> to vector<4096x192xf32>
      %add3A_105 = arith.addf %dot_general3A_103, %add3A_104 : vector<4096x192xf32>
      %dot_general3A_106 = arith.constant dense<0.000000e+00> : vector<4096x192xf32>
      %dot_general3A_107 = tpu.matmul %get3A_101, %get3A_16, %dot_general3A_106 {dimension_numbers = #tpu.dot_dimension_numbers<[1], [0], [0], [1], [0, 0, 1, 1], [], []>, transpose_lhs_hint = false} : vector<4096x64xf32>, vector<64x192xf32>, vector<4096x192xf32> -> vector<4096x192xf32>
      %add3A_108 = vector.broadcast %get3A_22 : vector<1x192xf32> to vector<4096x192xf32>
      %add3A_109 = arith.addf %dot_general3A_107, %add3A_108 : vector<4096x192xf32>
      %slice3A_110 = vector.extract_strided_slice %add3A_105 {offsets = [0, 0], sizes = [4096, 64], strides = [1, 1]} : vector<4096x192xf32> to vector<4096x64xf32>
      %slice3A_111 = vector.extract_strided_slice %add3A_109 {offsets = [0, 0], sizes = [4096, 64], strides = [1, 1]} : vector<4096x192xf32> to vector<4096x64xf32>
      %add3A_112 = arith.addf %slice3A_110, %slice3A_111 : vector<4096x64xf32>
      %logistic3A_113 = arith.negf %add3A_112 : vector<4096x64xf32>
      %logistic3A_114 = math.exp %logistic3A_113 : vector<4096x64xf32>
      %logistic3A_115 = arith.constant 1.000000e+00 : f32
      %logistic3A_116 = vector.broadcast %logistic3A_115 : f32 to vector<4096x64xf32>
      %logistic3A_117 = arith.addf %logistic3A_116, %logistic3A_114 : vector<4096x64xf32>
      %logistic3A_118 = arith.divf %logistic3A_116, %logistic3A_117 : vector<4096x64xf32>
      %slice3A_119 = vector.extract_strided_slice %add3A_105 {offsets = [0, 64], sizes = [4096, 64], strides = [1, 1]} : vector<4096x192xf32> to vector<4096x64xf32>
      %slice3A_120 = vector.extract_strided_slice %add3A_109 {offsets = [0, 64], sizes = [4096, 64], strides = [1, 1]} : vector<4096x192xf32> to vector<4096x64xf32>
      %add3A_121 = arith.addf %slice3A_119, %slice3A_120 : vector<4096x64xf32>
      %logistic3A_122 = arith.negf %add3A_121 : vector<4096x64xf32>
      %logistic3A_123 = math.exp %logistic3A_122 : vector<4096x64xf32>
      %logistic3A_124 = arith.constant 1.000000e+00 : f32
      %logistic3A_125 = vector.broadcast %logistic3A_124 : f32 to vector<4096x64xf32>
      %logistic3A_126 = arith.addf %logistic3A_125, %logistic3A_123 : vector<4096x64xf32>
      %logistic3A_127 = arith.divf %logistic3A_125, %logistic3A_126 : vector<4096x64xf32>
      %slice3A_128 = vector.extract_strided_slice %add3A_105 {offsets = [0, 128], sizes = [4096, 64], strides = [1, 1]} : vector<4096x192xf32> to vector<4096x64xf32>
      %slice3A_129 = vector.extract_strided_slice %add3A_109 {offsets = [0, 128], sizes = [4096, 64], strides = [1, 1]} : vector<4096x192xf32> to vector<4096x64xf32>
      %mul3A_130 = arith.mulf %logistic3A_118, %slice3A_129 : vector<4096x64xf32>
      %add3A_131 = arith.addf %slice3A_128, %mul3A_130 : vector<4096x64xf32>
      %tanh3A_132 = math.tanh %add3A_131 : vector<4096x64xf32>
      %sub3A_133 = arith.constant 1.000000e+00 : f32
      %sub3A_134 = vector.broadcast %sub3A_133 : f32 to vector<4096x64xf32>
      %sub3A_135 = arith.subf %sub3A_134, %logistic3A_127 : vector<4096x64xf32>
      %mul3A_136 = arith.mulf %sub3A_135, %tanh3A_132 : vector<4096x64xf32>
      %mul3A_137 = arith.mulf %logistic3A_127, %get3A_101 : vector<4096x64xf32>
      %add3A_138 = arith.addf %mul3A_136, %mul3A_137 : vector<4096x64xf32>
      %swap3A_139 = arith.constant 0 : index
      %swap3A_140 = arith.constant 0 : index
      %swap3A_141 = vector.load %arg10[%swap3A_139, %swap3A_140] : memref<4096x64xf32, #tpu.memory_space<vmem>>, vector<4096x64xf32>
      tpu.vector_store %arg10[%swap3A_139, %swap3A_140], %add3A_138 {strides = array<i32>} : memref<4096x64xf32, #tpu.memory_space<vmem>>, vector<4096x64xf32>,
      %lt3A_142 = arith.constant 24 : i32
      %lt3A_143 = arith.cmpi slt, %scan3A_41, %lt3A_142 : i32
      %convert_element_type3A_144 = arith.extui %lt3A_143 : i1 to i32
      %cond3A_145 = arith.constant 0 : i32
      %cond3A_146 = arith.cmpi ne, %convert_element_type3A_144, %cond3A_145 : i32
      scf.if %cond3A_146 {
        %add3A_147 = arith.constant 3 : i32
        %add3A_148 = arith.addi %mul3A_42, %add3A_147 : i32
        %dma_start3A_149 = arith.constant 0 : i32
        %dma_start3A_150 = arith.constant 0 : i32
        %dma_start3A_151 = tpu.memref_slice %arg0[%add3A_148, %dma_start3A_149, %dma_start3A_150] : memref<50x4096x128xf32, #tpu.memory_space<any>> -> memref<1x4096x128xf32, #tpu.memory_space<any>>
        %dma_start3A_152 = tpu.memref_squeeze %dma_start3A_151 : memref<1x4096x128xf32, #tpu.memory_space<any>> -> memref<4096x128xf32, #tpu.memory_space<any>>
        tpu.enqueue_dma source(%dma_start3A_152 : memref<4096x128xf32, #tpu.memory_space<any>>) target(%arg9 : memref<4096x128xf32, #tpu.memory_space<vmem>>) target_semaphore(%arg12 : memref<!tpu.dma_semaphore, #tpu.memory_space<semaphore_mem>>)
      } else {
      }
    }
    %scan3A_26 = arith.constant 25 : i32
    %get3A_27 = arith.constant 0 : index
    %get3A_28 = arith.constant 0 : index
    %get3A_29 = vector.load %arg10[%get3A_27, %get3A_28] : memref<4096x64xf32, #tpu.memory_space<vmem>>, vector<4096x64xf32>
    %get3A_30 = arith.constant 0 : index
    %get3A_31 = arith.constant 0 : index
    %get3A_32 = vector.load %arg5[%get3A_30, %get3A_31] : memref<64x64xf32, #tpu.memory_space<vmem>>, vector<64x64xf32>
    %dot_general3A = arith.constant dense<0.000000e+00> : vector<4096x64xf32>
    %dot_general3A_33 = tpu.matmul %get3A_29, %get3A_32, %dot_general3A {dimension_numbers = #tpu.dot_dimension_numbers<[1], [0], [0], [1], [0, 0, 1, 1], [], []>, transpose_lhs_hint = false} : vector<4096x64xf32>, vector<64x64xf32>, vector<4096x64xf32> -> vector<4096x64xf32>
    %get3A_34 = arith.constant 0 : index
    %get3A_35 = arith.constant 0 : index
    %get3A_36 = vector.load %arg6[%get3A_34, %get3A_35] : memref<1x64xf32, #tpu.memory_space<vmem>>, vector<1x64xf32>
    %add3A = vector.broadcast %get3A_36 : vector<1x64xf32> to vector<4096x64xf32>
    %add3A_37 = arith.addf %dot_general3A_33, %add3A : vector<4096x64xf32>
    %swap3A_38 = arith.constant 0 : index
    %swap3A_39 = arith.constant 0 : index
    %swap3A_40 = vector.load %arg7[%swap3A_38, %swap3A_39] : memref<4096x64xf32, #tpu.memory_space<vmem>>, vector<4096x64xf32>
    tpu.vector_store %arg7[%swap3A_38, %swap3A_39], %add3A_37 {strides = array<i32>} : memref<4096x64xf32, #tpu.memory_space<vmem>>, vector<4096x64xf32>,
    return
  }
}

</mosaic_0001>

<sc_bundles>
// kernel: kernel.5.cloned.1.call-start
scs
__scs_entry_jumppad:
0x0: {  	(pc) =	sbr.rel $0x88, $3  }
0x1: {  	(tag) =	ssettag $0x0;
	lr =	simm.s32 $0x1  }
0x2: {  	[smem:$0x3F99] =	sst lr;
	_ =	strace $0xD0000000  }
0x3: {  	_ = 	snop  }
0x4: {  	_ = 	snop  }
0x5: {  	_ = 	snop  }
0x6: {  	_ = 	snop  }
0x7: {  	_ = 	snop  }
__scs_overlays_trampoline_lowered:
0x8: {  	[smem:$0x3FA8] =	sst s0  }
0x9: {  	[smem:$0x3FA9] =	sst s1  }
0xa: {  	[smem:$0x3FAA] =	sst s2  }
0xb: {  	[smem:$0x3FAB] =	sst s3  }
0xc: {  	[smem:$0x3FAC] =	sst s4  }
0xd: {  	[smem:$0x3FAD] =	sst s5  }
0xe: {  	[smem:$0x3FAE] =	sst s6  }
0xf: {  	[smem:$0x3FAF] =	sst s7  }
0x10: {  	[smem:$0x3FB0] =	sst s8  }
0x11: {  	[smem:$0x3FB1] =	sst s9;
	s0 =	simm.s32 @!p0 $0x0  }
0x12: {  	s1 =	sld [smem:$0x3F97];
	s0 =	simm.s32 @p0 $0x1  }
0x13: {  	[smem:$0x3FB2] =	sst s0;
	s0 =	simm.s32 @!p1 $0x0  }
0x14: {  	s2 =	sld [smem:$0x3F96];
	s0 =	simm.s32 @p1 $0x1  }
0x15: {  	[smem:$0x3FB3] =	sst s0;
	s0 =	simm.s32 @!p2 $0x0  }
0x16: {  	s3 =	sld [smem:$0x3FDB];
	s0 =	simm.s32 @p2 $0x1  }
0x17: {  	s4 =	simm.s32 $0x1BF5;
	[smem:$0x3FB5] =	sst s0  }
0x18: {  	s0 =	sld [smem:$0x3F98];
	_ =	swait.ge [sflag:s4], $0x0  }
0x19: {  	s7 =	sld [smem:$0x3F99]  }
0x1a: {  	s8 =	sadd.s32 $0xFFFFE003, lr  }
0x1b: {  	s9 =	sadd.s32 $0xFFFFFEF7, lr;
	s5 =	simm.s32 $0xFFFFFFFF;
	p2 =	slt.u32 s8, $0xFFFFF086  }
0x1c: {  	p1 =	slt.u32 s9, $0xF7A;
	s5 =	simm.s32 @!p2 $0x0  }
0x1d: {  	s5 =	simm.s32 @p1 $0x1;
	p0 =	seq.s32 s7, s2  }
0x1e: {  	s7 =	smul.u32 @!p0 $0xF7A, s2;
	p2 =	seq.s32 @!p0 s5, $0x0  }
0x1f: {  	s9 =	smul.u32 $0xF7A, s1;
	s8 =	simm.s32 @!p0 $0x1BF5;
	p2 =	por !p2, p0  }
0x20: {  	[sflag:s8] =	ssyncset.s32 @!p0 $0xFFFFF086;
	s6 =	sadd.s32 @!p0 s3, s7;
	s7 =	simm.s32 @!p0 $0x108  }
0x21: {  	s3 =	sadd.s32 s3, s9;
	s6 =	sadd.s32 @!p0 $0x88, s6;
	s7 =	simm.s32 @p2 $0x1082  }
0x22: {  	[simem:s7], [sflag:s8] =	dma.local @!p0 [hbm:s6], $0xF7A  }
0x23: {  	s9 =	sor.u32 $0xD0000000, s2;
	s6 =	simm.s32 $0x108;
	_ =	swait.ge @!p0 [sflag:s8], $0x0  }
0x24: {  	s3 =	sadd.s32 $0x88, s3;
	s6 =	simm.s32 @!p1 $0x1082;
	[sflag:s4] =	ssyncset.s32 $0xFFFFF086  }
0x25: {  	[simem:s6], [sflag:s4] =	dma.local [hbm:s3], $0xF7A  }
0x26: {  	[smem:$0x3F99] =	sst s1;
	(tag) =	ssettag s2;
	_ =	strace s9  }
0x27: {  	s1 =	sld [smem:$0x3FA9]  }
0x28: {  	s2 =	sld [smem:$0x3FAA]  }
0x29: {  	s4 =	sld [smem:$0x3FAC]  }
0x2a: {  	p0 =	seq.s32 s5, $0x0;
	s5 =	sld [smem:$0x3FAD]  }
0x2b: {  	s6 =	sld [smem:$0x3FAE]  }
0x2c: {  	s7 =	sld [smem:$0x3FAF]  }
0x2d: {  	s3 =	simm.s32 $0x108;
	s8 =	sld [smem:$0x3FB0]  }
0x2e: {  	s3 =	simm.s32 @!p0 $0x1082;
	s9 =	sld [smem:$0x3FB1]  }
0x2f: {  	lr =	sadd.s32 s0, s3;
	s0 =	sld [smem:$0x3FA8]  }
0x30: {  	s3 =	sld [smem:$0x3FAB]  }
0x31: {  	[smem:$0x3FB4] =	sst s10  }
0x32: {  	s10 =	sld [smem:$0x3FB2];
	_ =	sdelay $0x3  }
0x33: {  	p0 =	seq.s32 s10, $0x1;
	s10 =	sld [smem:$0x3FB4];
	_ =	sdelay $0x3  }
0x34: {  	[smem:$0x3FB4] =	sst s10  }
0x35: {  	s10 =	sld [smem:$0x3FB3];
	_ =	sdelay $0x3  }
0x36: {  	p1 =	seq.s32 s10, $0x1;
	s10 =	sld [smem:$0x3FB4];
	_ =	sdelay $0x3  }
0x37: {  	[smem:$0x3FB4] =	sst s10  }
0x38: {  	s10 =	sld [smem:$0x3FB5]  }
0x39: {  	_ = 	snop;
	(pc) =	sbr.ind lr, $3  }
0x3a: {  	_ = 	snop  }
0x3b: {  	_ = 	snop  }
0x3c: {  	p2 =	seq.s32 s10, $0x1;
	s10 =	sld [smem:$0x3FB4]  }
0x3d: {  	_ =	shalt  }
0x3e: {  	_ =	shalt  }
0x3f: {  	_ =	shalt  }
0x40: {  	_ =	shalt  }
0x41: {  	_ =	shalt  }
0x42: {  	_ =	shalt  }
0x43: {  	_ =	shalt  }
0x44: {  	_ =	shalt  }
0x45: {  	_ =	shalt  }
0x46: {  	_ =	shalt  }
0x47: {  	_ =	shalt  }
0x48: {  	_ =	shalt  }
0x49: {  	_ =	shalt  }
0x4a: {  	_ =	shalt  }
0x4b: {  	_ =	shalt  }
0x4c: {  	_ =	shalt  }
0x4d: {  	_ =	shalt  }
0x4e: {  	_ =	shalt  }
0x4f: {  	_ =	shalt  }
0x50: {  	_ =	shalt  }
0x51: {  	_ =	shalt  }
0x52: {  	_ =	shalt  }
0x53: {  	_ =	shalt  }
0x54: {  	_ =	shalt  }
0x55: {  	_ =	shalt  }
0x56: {  	_ =	shalt  }
0x57: {  	_ =	shalt  }
0x58: {  	_ =	shalt  }
0x59: {  	_ =	shalt  }
0x5a: {  	_ =	shalt  }
0x5b: {  	_ =	shalt  }
0x5c: {  	_ =	shalt  }
0x5d: {  	_ =	shalt  }
0x5e: {  	_ =	shalt  }
0x5f: {  	_ =	shalt  }
0x60: {  	_ =	shalt  }
0x61: {  	_ =	shalt  }
0x62: {  	_ =	shalt  }
0x63: {  	_ =	shalt  }
0x64: {  	_ =	shalt  }
0x65: {  	_ =	shalt  }
0x66: {  	_ =	shalt  }
0x67: {  	_ =	shalt  }
0x68: {  	_ =	shalt  }
0x69: {  	_ =	shalt  }
0x6a: {  	_ =	shalt  }
0x6b: {  	_ =	shalt  }
0x6c: {  	_ =	shalt  }
0x6d: {  	_ =	shalt  }
0x6e: {  	_ =	shalt  }
0x6f: {  	_ =	shalt  }
0x70: {  	_ =	shalt  }
0x71: {  	_ =	shalt  }
0x72: {  	_ =	shalt  }
0x73: {  	_ =	shalt  }
0x74: {  	_ =	shalt  }
0x75: {  	_ =	shalt  }
0x76: {  	_ =	shalt  }
0x77: {  	_ =	shalt  }
0x78: {  	_ =	shalt  }
0x79: {  	_ =	shalt  }
0x7a: {  	_ =	shalt  }
0x7b: {  	_ =	shalt  }
0x7c: {  	_ =	shalt  }
0x7d: {  	_ =	shalt  }
0x7e: {  	_ =	shalt  }
0x7f: {  	_ =	shalt  }
0x80: {  	_ =	shalt  }
0x81: {  	_ =	shalt  }
0x82: {  	_ =	shalt  }
0x83: {  	_ =	shalt  }
0x84: {  	_ =	shalt  }
0x85: {  	_ =	shalt  }
0x86: {  	_ =	shalt  }
0x87: {  	_ =	shalt  }
.Lfunc_end0:
.L_simem_size_0:
called_computation_lowered:
.L_overlay_start_0:
0x88: {  	s2 =	sld [smem:$0x3FD9]  }
0x89: {  	s3 =	sld [smem:$0x3FFE];
	_ =	sdelay $0x1  }
0x8a: {  	s1 =	srdreg.scid  }
0x8b: {  	s0 =	sand.u32 $0x1, s1  }
0x8c: {  	s17 =	sshll.u32 s0, $0xA;
	s2 =	sadd.s32 s3, s2  }
0x8d: {  	s2 =	sadd.s32 s2, s17  }
0x8e: {  	[smem:$0x3FC0] =	sst s2  }
0x8f: {  	_ = 	snop  }
0x90: {  	s2 =	sld [smem:$0x3FD0];
	(tm) =	ssettm $0x1  }
0x91: {  	s18 =	sld [smem:$0x3FFB];
	_ =	sdelay $0x3  }
0x92: {  	_ =	strace s18  }
0x93: {  	s3 =	sld [smem:$0x3FFC];
	_ =	sdelay $0x3  }
0x94: {  	_ =	strace s3  }
0x95: {  	s3 =	sld [smem:$0x3FFD];
	_ =	sdelay $0x3  }
0x96: {  	_ =	strace s3  }
0x97: {  	_ =	strace $0x8FFFFFFF  }
0x98: {  	s19 =	sld [smem:$0x3FDB];
	_ =	sdelay $0x1  }
0x99: {  	s4 =	simm.s32 $_scs_section_size  }
0x9a: {  	s5 =	simm.s32 $_size__tile_overlayer_lowered;
	s6 =	simm.s32 $_tile_overlayer_lowered  }
0x9b: {  	s22 =	simm.s32 $0x1BFF;
	s21 =	sshll.u32 s6, $0x1;
	s3 =	sadd.s32 s4, s19  }
0x9c: {  	s7 =	simm.s32 $0x0;
	s20 =	sshll.u32 s5, $0x1;
	s5 =	sadd.s32 s21, s3  }
0x9d: {  	[timem:s7], [sflag:s22] =	dma.local [hbm:s5], s20  }
0x9e: {  	_ =	swait.ge [sflag:s22], s20  }
0x9f: {  	s4 =	ssub.s32 $0x0, s20;
	[sflag:s22] =	ssyncset.done $0x0  }
0xa0: {  	[sflag:s22] =	ssyncadd.s32 s4;
	_ =	sdelay $0x1  }
0xa1: {  	s23 =	simm.s32 $0x1B8B  }
0xa2: {  	_ =	swait.ge [sflag:s23], $0x1  }
0xa3: {  	[sflag:s23] =	ssyncset.done $0x0  }
0xa4: {  	s25 =	simm.s32 $0x1B8E;
	s24 =	sld [smem:$0x3FFE];
	[sflag:s23] =	ssyncadd.s32 $0xFFFFFFFF  }
0xa5: {  	s26 =	simm.s32 $execute0_lowered;
	[smem:$0x3FD2] =	sst s25  }
0xa6: {  	s5 =	sshll.u32 s26, $0x1;
	_ =	strace $0x80000046;
	[dreg:$0x1] =	wrdreg $0xFFFFFFFF  }
0xa7: {  	s28 =	simm.s32 $_size_execute0_lowered;
	s3 =	sadd.s32 s3, s5;
	[dreg:$0x0] =	wrdreg $0x0  }
0xa8: {  	s5 =	sshll.u32 s28, $0x1;
	[dreg:$0x2] =	wrdreg s3  }
0xa9: {  	[dreg:$0x3] =	wrdreg s5  }
0xaa: {  	[dreg:$0x4] =	wrdreg $0xC0  }
0xab: {  	_ =	task [dreg:s7], $0x5FFFF  }
0xac: {  	[dreg:$0x1] =	wrdreg $0xFFFFFFFF  }
0xad: {  	[dreg:$0x0] =	wrdreg $0x60  }
0xae: {  	[dreg:$0x2] =	wrdreg s24  }
0xaf: {  	[dreg:$0x3] =	wrdreg s2  }
0xb0: {  	[dreg:$0x4] =	wrdreg $0x9  }
0xb1: {  	_ =	task.clear_ibuf [dreg:s7], $0x5FFFF;
	_ =	strace $0x90000046  }
0xb2: {  	s29 =	simm.s32 $0x9;
	_ =	strace $0x80000048  }
0xb3: {  	_ =	swait.ge [sflag:s29], $0x1  }
0xb4: {  	[sflag:s29] =	ssyncadd.s32 $0xFFFFFFFF  }
0xb5: {  	_ =	strace $0x90000048  }
0xb6: {  	_ =	sfence  }
0xb7: {  	s30 =	sld [smem:$0x0];
	_ =	sdelay $0x2  }
0xb8: {  	s31 =	sshll.u32 s1, $0xD;
	s1 =	sshrl.u32 s1, $0x2  }
0xb9: {  	s3 =	sand.u32 $0x4000, s31;
	s1 =	sadd.s32 s1, s30  }
0xba: {  	s0 =	sor.u32 s3, s0;
	s1 =	sshll.u32 s1, $0x11  }
0xbb: {  	s0 =	sor.u32 s1, s0  }
0xbc: {  	s0 =	sadd.s32 $0x8F2B, s0  }
0xbd: {  	[sflag:s0] =	ssyncadd.remote.s32 $0x1  }
0xbe: {  	_ =	sfence.sel $0xFFFF  }
0xbf: {  	[dreg:$0x0] =	wrdreg $0xFFFFFFFF;
	(pc) =	sbr.abs _section_cstart, $3  }
0xc0: {  	[dreg:$0x1] =	wrdreg $0xFFFFFFFF  }
0xc1: {  	_ =	task.clear_ibuf [dreg:s7], $0x2FFFF;
	_ =	strace $0x9FFFFFFF  }
0xc2: {  	(tm) =	ssettm $0x7FFFFFFF  }
0xc3: {  	_ =	shalt  }
tec
execute0_lowered:
.L_overlay_start_1:
0x0: {  	(tag) =	ssettag $0x1  }
0x1: {  	s4 =	rddreg [dreg:$0x0]  }
0x2: {  	s0 =	stileid.u32;
	s1 =	srdreg.scid  }
0x3: {  	s6 =	rddreg [dreg:$0x1];
	s5 =	smul.u32 $0x32000, s0  }
0x4: {  	s2 =	simm.s32 $0x0;
	s3 =	sand.u32 $0x1, s1;
	s8 =	smul.u32 $0x3200, s0  }
0x5: {  	s11 =	simm.s32 $0x0;
	s1 =	rddreg [dreg:$0x2];
	s7 =	smul.u32 $0x19000, s3  }
0x6: {  	[smem:$0x7FF] =	sst s2;
	s9 =	ssub.s32 $0x2, s3;
	s10 =	smul.u32 $0x1900, s3  }
0x7: {  	s3 =	sadd.s32 $0x1200, s4;
	s4 =	sadd.s32 s5, s4;
	s30 =	sshrl.u32 s9, $0x1  }
0x8: {  	_ =	strace $0x80000047;
	s5 =	ssub.s32 s9, s30;
	s7 =	sadd.s32 s7, s4  }
0x9: {  	s8 =	sadd.s32 s10, s8;
	s9 =	simm.s32 $0x200;
	s10 =	simm.s32 $0x1  }
0xa: {  	s4 =	smax.u32 s5, $0x1;
	s5 =	sadd.s32 $0xF43600, s7;
	s31 =	sshrl.u32 s8, $0x3  }
0xb: {  	s7 =	simm.s32 $0x2;
	s8 =	simm.s32 $0x190;
	s6 =	sadd.s32 s31, s6  }
.LBB2_1:
0xc: {  	s12 =	sadd.s32 $0x0, s6  }
0xd: {  	[tilespmem:s2], [sflag:$0x2] =	stream.linear.gather [hbm4b:s12+s2], $0x190, $0x38;
	[tilespmem:$0xCA00] =	vst v63  }
0xe: {  	_ =	swait.ge [sflag:s7], $0x190  }
0xf: {  	[sflag:s7] =	ssyncset.done $0x0  }
0x10: {  	[sflag:s7] =	ssyncadd.s32 $0xFFFFFE70  }
0x11: {  	[tilespmem:s9], [sflag:$0x1] =	stream.indirect.gather [hbm4b:s3+s8], $0x80, s2, s8, $0xb8;
	[tilespmem:$0xCA00] =	vst v63  }
0x12: {  	_ =	swait.ge [sflag:s10], $0xC800  }
0x13: {  	[sflag:s10] =	ssyncset.done $0x0  }
0x14: {  	[sflag:s10] =	ssyncadd.s32 $0xFFFF3800  }
0x15: {  	[hbm4b:s5+s2] =	stream.linear.scatter [tilespmem:s9], [sflag:$0x2], $0xC800, $0x38;
	[tilespmem:$0xCA00] =	vst v63  }
0x16: {  	s13 =	simm.s32 $0x32;
	_ =	swait.ge [sflag:s7], $0xC800  }
0x17: {  	s14 =	simm.s32 $0x64;
	s12 =	sadd.s32 $0x1900, s5;
	[sflag:s7] =	ssyncset.done $0x0  }
.LBB2_2:
0x18: {  	s15 =	sadd.s32 s13, s6  }
0x19: {  	[sflag:s7] =	ssyncadd.s32 $0xFFFF3800;
	s13 =	smov.u32 s14;
	s16 =	sadd.s32 $0x32, s14  }
0x1a: {  	[tilespmem:s2], [sflag:$0x2] =	stream.linear.gather [hbm4b:s15+s2], $0x190, $0x38;
	[tilespmem:$0xCA00] =	vst v63  }
0x1b: {  	p0 =	sne.s32 s14, $0x2EE;
	_ =	swait.ge [sflag:s7], $0x190  }
0x1c: {  	[sflag:s7] =	ssyncset.done $0x0  }
0x1d: {  	[sflag:s7] =	ssyncadd.s32 $0xFFFFFE70  }
0x1e: {  	[tilespmem:s9], [sflag:$0x1] =	stream.indirect.gather [hbm4b:s3+s8], $0x80, s2, s8, $0xb8;
	[tilespmem:$0xCA00] =	vst v63  }
0x1f: {  	_ =	swait.ge [sflag:s10], $0xC800  }
.Ltmp0:
0x20: {  	[sflag:s10] =	ssyncset.done $0x0;
	(pc) =	sbr.rel @p0 .LBB2_2-.Ltmp0, $4  }
0x21: {  	[sflag:s10] =	ssyncadd.s32 $0xFFFF3800  }
0x22: {  	[hbm4b:s12+s2] =	stream.linear.scatter [tilespmem:s9], [sflag:$0x2], $0xC800, $0x38;
	[tilespmem:$0xCA00] =	vst v63  }
0x23: {  	_ =	swait.ge [sflag:s7], $0xC800  }
0x24: {  	s14 =	smov.u32 s16;
	s12 =	sadd.s32 $0x1900, s12;
	[sflag:s7] =	ssyncset.done $0x0  }
0x25: {  	s13 =	sadd.s32 s13, s6;
	[sflag:s7] =	ssyncadd.s32 $0xFFFF3800  }
0x26: {  	[tilespmem:s2], [sflag:$0x2] =	stream.linear.gather [hbm4b:s13+s2], $0x190, $0x38;
	[tilespmem:$0xCA00] =	vst v63  }
0x27: {  	_ =	swait.ge [sflag:s7], $0x190  }
0x28: {  	[sflag:s7] =	ssyncset.done $0x0  }
0x29: {  	[sflag:s7] =	ssyncadd.s32 $0xFFFFFE70  }
0x2a: {  	[tilespmem:s9], [sflag:$0x1] =	stream.indirect.gather [hbm4b:s3+s8], $0x80, s2, s8, $0xb8;
	[tilespmem:$0xCA00] =	vst v63  }
0x2b: {  	s11 =	sadd.s32 $0x1, s11;
	_ =	swait.ge [sflag:s10], $0xC800  }
0x2c: {  	p0 =	sne.s32 s11, s4;
	[sflag:s10] =	ssyncset.done $0x0  }
.Ltmp1:
0x2d: {  	[sflag:s10] =	ssyncadd.s32 $0xFFFF3800;
	(pc) =	sbr.rel @p0 .LBB2_1-.Ltmp1, $4  }
0x2e: {  	[hbm4b:s12+s2] =	stream.linear.scatter [tilespmem:s9], [sflag:$0x2], $0xC800, $0x38;
	[tilespmem:$0xCA00] =	vst v63  }
0x2f: {  	_ =	swait.ge [sflag:s7], $0xC800  }
0x30: {  	[sflag:s7] =	ssyncset.done $0x0  }
0x31: {  	[sflag:s7] =	ssyncadd.s32 $0xFFFF3800  }
0x32: {  	_ =	sfence.sel $0x180000  }
0x33: {  	[bflag:$0x0] =	sbarrier.arrive $0xFFFF  }
0x34: {  	p0 =	sne.s32 s0, $0x0;
	_ =	strace $0x90000047  }
0x35: {  	s0 =	sadd.s32 @!p0 $0x100000, s1;
	[bflag:$0x2] =	sbarrier.arrive $0xFFFF  }
0x36: {  	[sflag:s0] =	ssyncadd.tile.s32 @!p0 $0x1;
	_ =	shalt  }
.Lfunc_end2:
_tile_overlayer_lowered:
.L_overlay_start_2:
0x37: {  	(tag) =	ssettag $0x2  }
0x38: {  	s0 =	rddreg [dreg:$0x0];
	s2 =	stileid.u32  }
0x39: {  	s1 =	rddreg [dreg:$0x1];
	p0 =	sne.s32 s2, $0x0  }
0x3a: {  	s3 =	rddreg [dreg:$0x2];
	[bflag:$0x3] =	sbarrier.arrive $0xFFFF;
	s2 =	simm.s32 @!p0 $0x1C02  }
0x3b: {  	[timem:s3], [sflag:s2] =	dma.local @!p0 [hbm:s0], s1  }
0x3c: {  	s0 =	simm.s32 @!p0 $0x2  }
0x3d: {  	_ =	swait.ge @!p0 [sflag:s0], s1  }
0x3e: {  	s1 =	ssub.s32 @!p0 $0x0, s1;
	[sflag:s0] =	ssyncset.done @!p0 $0x0  }
0x3f: {  	[sflag:s0] =	ssyncadd.s32 @!p0 s1  }
0x40: {  	[bflag:$0x3] =	sbarrier.arrive $0xFFFF  }
0x41: {  	_ =	shalt  }

</sc_bundles>
